<compile_context>
chip_gen: v7x
topology: tpu7x:2x2x1
jax: 0.10.2.dev20260603
libtpu: 0.0.44.dev20260713+nightly
codegen_flags: <defaults>
</compile_context>

<pallas_src>
import jax
import jax.numpy as jnp
from jax import lax
from jax.experimental import pallas as pl
from jax.experimental.pallas import tpu as pltpu

EMBED_DIM = 32
NUM_EMB = 24
PACK = 8
KDIM = PACK * NUM_EMB
NDIM = PACK * EMBED_DIM
BLK = 1024


def kernel(batch, table):
    n_rows, seq = batch.shape
    num_indices = n_rows * seq
    m8 = num_indices // PACK
    idxp = batch.reshape(m8, PACK)

    bd = jnp.einsum("jk,tc->jtkc", jnp.eye(PACK, dtype=table.dtype), table)
    bd = bd.reshape(KDIM, NDIM)
    bd_hi = bd.astype(jnp.bfloat16)
    bd_lo = (bd - bd_hi.astype(jnp.float32)).astype(jnp.bfloat16)
    spread = (
        lax.broadcasted_iota(jnp.int32, (PACK, KDIM), 1) // NUM_EMB
        == lax.broadcasted_iota(jnp.int32, (PACK, KDIM), 0)
    ).astype(jnp.bfloat16)

    def body(idx_ref, hi_ref, lo_ref, sp_ref, out_ref):
        idxb = jnp.dot(
            idx_ref[...].astype(jnp.bfloat16),
            sp_ref[...],
            preferred_element_type=jnp.float32,
        )
        val = (lax.broadcasted_iota(jnp.int32, (BLK, KDIM), 1) % NUM_EMB).astype(
            jnp.float32
        )
        oh = (idxb == val).astype(jnp.bfloat16)
        acc = jnp.dot(oh, hi_ref[...], preferred_element_type=jnp.float32)
        acc += jnp.dot(oh, lo_ref[...], preferred_element_type=jnp.float32)
        out_ref[...] = acc

    out = pl.pallas_call(
        body,
        grid=(m8 // BLK,),
        in_specs=[
            pl.BlockSpec((BLK, PACK), lambda i: (i, 0)),
            pl.BlockSpec((KDIM, NDIM), lambda i: (0, 0)),
            pl.BlockSpec((KDIM, NDIM), lambda i: (0, 0)),
            pl.BlockSpec((PACK, KDIM), lambda i: (0, 0)),
        ],
        out_specs=pl.BlockSpec((BLK, NDIM), lambda i: (i, 0)),
        out_shape=jax.ShapeDtypeStruct((m8, NDIM), jnp.float32),
    )(idxp, bd_hi, bd_lo, spread)

    return out.reshape(n_rows, seq, EMBED_DIM)

# --- scband reference (transcript-rebuilt; emitter-appended) ---
"""Pipeline reference for scband-embedding-73933567033963 (READ-ONLY COPY).

The authoritative reference and input builder live on the scoring server;
editing this copy changes nothing except your own understanding.
"""

import jax, jax.numpy as jnp
import numpy as np

NUM_EMBEDDINGS = 24
EMBED_DIM = 32

def setup_inputs(seed: int = 0) -> dict:
    key = jax.random.key(seed)
    k1, k2 = jax.random.split(key)
    batch = jax.random.randint(k1, (16384, 200), 0, NUM_EMBEDDINGS, dtype=jnp.int64 if jax.config.jax_enable_x64 else jnp.int32)
    table = jax.random.normal(k2, (NUM_EMBEDDINGS, EMBED_DIM), dtype=jnp.float32)
    return {"batch": batch, "table": table}

def reference(batch, table):
    # nn.Embedding lookup: gather rows of the table by index
    embedded = jnp.take(table, batch, axis=0)
    return embedded

if __name__ == "__main__":
    import jax
    _d = setup_inputs()
    print(jax.jit(kernel)(*tuple(_d.values())))

</pallas_src>

<mosaic_0001>
module attributes {stable_mosaic.version = 14 : i64} {
  func.func @body(%arg0: i32, %arg1: memref<1024x8xi32, #tpu.memory_space<vmem>>, %arg2: memref<192x256xbf16, #tpu.memory_space<vmem>>, %arg3: memref<192x256xbf16, #tpu.memory_space<vmem>>, %arg4: memref<8x192xbf16, #tpu.memory_space<vmem>>, %arg5: memref<1024x256xf32, #tpu.memory_space<vmem>>) attributes {dimension_semantics = [#tpu.dimension_semantics<arbitrary>], iteration_bounds = array<i64: 400>, scalar_prefetch = 0 : i64, scratch_operands = 0 : i64, tpu.core_type = #tpu.core_type<tc>, window_params = [{transform_indices = @transform_0, window_bounds = array<i64: 1024, 8>}, {pipeline_mode = #tpu.pipeline_mode<synchronous>, transform_indices = @transform_1, window_bounds = array<i64: 192, 256>}, {pipeline_mode = #tpu.pipeline_mode<synchronous>, transform_indices = @transform_2, window_bounds = array<i64: 192, 256>}, {pipeline_mode = #tpu.pipeline_mode<synchronous>, transform_indices = @transform_3, window_bounds = array<i64: 8, 192>}, {transform_indices = @transform_4, window_bounds = array<i64: 1024, 256>}]} {
    %get3A = arith.constant 0 : index
    %get3A_0 = arith.constant 0 : index
    %get3A_1 = vector.load %arg1[%get3A, %get3A_0] : memref<1024x8xi32, #tpu.memory_space<vmem>>, vector<1024x8xi32>
    %convert_element_type3A = arith.sitofp %get3A_1 : vector<1024x8xi32> to vector<1024x8xbf16>
    %get3A_2 = arith.constant 0 : index
    %get3A_3 = arith.constant 0 : index
    %get3A_4 = vector.load %arg4[%get3A_2, %get3A_3] : memref<8x192xbf16, #tpu.memory_space<vmem>>, vector<8x192xbf16>
    %dot_general3A = arith.constant dense<0.000000e+00> : vector<1024x192xf32>
    %dot_general3A_5 = tpu.matmul %convert_element_type3A, %get3A_4, %dot_general3A {dimension_numbers = #tpu.dot_dimension_numbers<[1], [0], [0], [1], [0, 0, 1, 1], [], []>, transpose_lhs_hint = false} : vector<1024x8xbf16>, vector<8x192xbf16>, vector<1024x192xf32> -> vector<1024x192xf32>
    %iota3A = tpu.iota {dimensions = array<i32: 1>} : vector<1024x192xi32>
    %jit3A = arith.constant 24 : i32
    %eq3A = arith.constant 0 : i32
    %eq3A_6 = arith.cmpi eq, %jit3A, %eq3A : i32
    %jit3A_7 = arith.constant 1 : i32
    %select_n3A = arith.select %eq3A_6, %jit3A_7, %jit3A : i32
    %rem3A = vector.broadcast %select_n3A : i32 to vector<1024x192xi32>
    %rem3A_8 = arith.remsi %iota3A, %rem3A : vector<1024x192xi32>
    %ne3A = arith.constant 0 : i32
    %ne3A_9 = vector.broadcast %ne3A : i32 to vector<1024x192xi32>
    %ne3A_10 = arith.cmpi ne, %rem3A_8, %ne3A_9 : vector<1024x192xi32>
    %lt3A = arith.constant 0 : i32
    %lt3A_11 = vector.broadcast %lt3A : i32 to vector<1024x192xi32>
    %lt3A_12 = arith.cmpi slt, %rem3A_8, %lt3A_11 : vector<1024x192xi32>
    %lt3A_13 = arith.constant 0 : i32
    %lt3A_14 = arith.cmpi slt, %select_n3A, %lt3A_13 : i32
    %ne3A_15 = vector.broadcast %lt3A_14 : i1 to vector<1024x192xi1>
    %ne3A_16 = vector.broadcast %ne3A_15 : vector<1024x192xi1> to vector<1024x192xi1>
    %ne3A_17 = arith.xori %lt3A_12, %ne3A_16 : vector<1024x192xi1>
    %and3A = arith.andi %ne3A_17, %ne3A_10 : vector<1024x192xi1>
    %add3A = vector.broadcast %select_n3A : i32 to vector<1024x192xi32>
    %add3A_18 = arith.addi %rem3A_8, %add3A : vector<1024x192xi32>
    %select_n3A_19 = arith.select %and3A, %add3A_18, %rem3A_8 : vector<1024x192xi1>, vector<1024x192xi32>
    %convert_element_type3A_20 = arith.sitofp %select_n3A_19 : vector<1024x192xi32> to vector<1024x192xf32>
    %eq3A_21 = arith.cmpf oeq, %dot_general3A_5, %convert_element_type3A_20 : vector<1024x192xf32>
    %convert_element_type3A_22 = arith.extui %eq3A_21 : vector<1024x192xi1> to vector<1024x192xi32>
    %convert_element_type3A_23 = arith.sitofp %convert_element_type3A_22 : vector<1024x192xi32> to vector<1024x192xf32>
    %convert_element_type3A_24 = arith.truncf %convert_element_type3A_23 : vector<1024x192xf32> to vector<1024x192xbf16>
    %get3A_25 = arith.constant 0 : index
    %get3A_26 = arith.constant 0 : index
    %get3A_27 = vector.load %arg2[%get3A_25, %get3A_26] : memref<192x256xbf16, #tpu.memory_space<vmem>>, vector<192x256xbf16>
    %dot_general3A_28 = arith.constant dense<0.000000e+00> : vector<1024x256xf32>
    %dot_general3A_29 = tpu.matmul %convert_element_type3A_24, %get3A_27, %dot_general3A_28 {dimension_numbers = #tpu.dot_dimension_numbers<[1], [0], [0], [1], [0, 0, 1, 1], [], []>, transpose_lhs_hint = false} : vector<1024x192xbf16>, vector<192x256xbf16>, vector<1024x256xf32> -> vector<1024x256xf32>
    %get3A_30 = arith.constant 0 : index
    %get3A_31 = arith.constant 0 : index
    %get3A_32 = vector.load %arg3[%get3A_30, %get3A_31] : memref<192x256xbf16, #tpu.memory_space<vmem>>, vector<192x256xbf16>
    %dot_general3A_33 = arith.constant dense<0.000000e+00> : vector<1024x256xf32>
    %dot_general3A_34 = tpu.matmul %convert_element_type3A_24, %get3A_32, %dot_general3A_33 {dimension_numbers = #tpu.dot_dimension_numbers<[1], [0], [0], [1], [0, 0, 1, 1], [], []>, transpose_lhs_hint = false} : vector<1024x192xbf16>, vector<192x256xbf16>, vector<1024x256xf32> -> vector<1024x256xf32>
    %add3A_35 = arith.addf %dot_general3A_29, %dot_general3A_34 : vector<1024x256xf32>
    %swap3A = arith.constant 0 : index
    %swap3A_36 = arith.constant 0 : index
    %swap3A_37 = vector.load %arg5[%swap3A, %swap3A_36] : memref<1024x256xf32, #tpu.memory_space<vmem>>, vector<1024x256xf32>
    tpu.vector_store %arg5[%swap3A, %swap3A_36], %add3A_35 {strides = array<i32>} : memref<1024x256xf32, #tpu.memory_space<vmem>>, vector<1024x256xf32>,
    return
  }
  func.func @transform_0(%arg0: i32) -> (i32, i32) {
    %c0_i32 = arith.constant 0 : i32
    %c0_i32_0 = arith.constant 0 : i32
    return %arg0, %c0_i32 : i32, i32
  }
  func.func @transform_1(%arg0: i32) -> (i32, i32) {
    %c0_i32 = arith.constant 0 : i32
    %c0_i32_0 = arith.constant 0 : i32
    %c0_i32_1 = arith.constant 0 : i32
    return %c0_i32, %c0_i32_0 : i32, i32
  }
  func.func @transform_2(%arg0: i32) -> (i32, i32) {
    %c0_i32 = arith.constant 0 : i32
    %c0_i32_0 = arith.constant 0 : i32
    %c0_i32_1 = arith.constant 0 : i32
    return %c0_i32, %c0_i32_0 : i32, i32
  }
  func.func @transform_3(%arg0: i32) -> (i32, i32) {
    %c0_i32 = arith.constant 0 : i32
    %c0_i32_0 = arith.constant 0 : i32
    %c0_i32_1 = arith.constant 0 : i32
    return %c0_i32, %c0_i32_0 : i32, i32
  }
  func.func @transform_4(%arg0: i32) -> (i32, i32) {
    %c0_i32 = arith.constant 0 : i32
    %c0_i32_0 = arith.constant 0 : i32
    return %arg0, %c0_i32 : i32, i32
  }
}

</mosaic_0001>

<sc_bundles>
// kernel: sparse-core-data-format-call.cloned.1.call-start
scs
called_computation_lowered:
.L_overlay_start_0:
0x0: {  	s2 =	sld [smem:$0x3FD9]  }
0x1: {  	s3 =	sld [smem:$0x3FFE];
	_ =	sdelay $0x1  }
0x2: {  	s1 =	srdreg.scid  }
0x3: {  	s0 =	sand.u32 $0x1, s1  }
0x4: {  	s18 =	sshll.u32 s0, $0xA;
	s2 =	sadd.s32 s3, s2  }
0x5: {  	s2 =	sadd.s32 s2, s18  }
0x6: {  	[smem:$0x3FC6] =	sst s2  }
0x7: {  	_ = 	snop  }
0x8: {  	s2 =	sld [smem:$0x3FD0];
	(tm) =	ssettm $0x1  }
0x9: {  	s19 =	sld [smem:$0x3FFB];
	_ =	sdelay $0x3  }
0xa: {  	_ =	strace s19  }
0xb: {  	s3 =	sld [smem:$0x3FFC];
	_ =	sdelay $0x3  }
0xc: {  	_ =	strace s3  }
0xd: {  	s3 =	sld [smem:$0x3FFD];
	_ =	sdelay $0x3  }
0xe: {  	_ =	strace s3  }
0xf: {  	_ =	strace $0x8FFFFFFF  }
0x10: {  	s20 =	sld [smem:$0x3FDB];
	_ =	sdelay $0x1  }
0x11: {  	s4 =	simm.s32 $_scs_section_size  }
0x12: {  	s5 =	simm.s32 $_size__tile_overlayer_lowered;
	s6 =	simm.s32 $_tile_overlayer_lowered  }
0x13: {  	s23 =	simm.s32 $0x1BFF;
	s22 =	sshll.u32 s6, $0x1;
	s3 =	sadd.s32 s4, s20  }
0x14: {  	s7 =	simm.s32 $0x0;
	s21 =	sshll.u32 s5, $0x1;
	s5 =	sadd.s32 s22, s3  }
0x15: {  	[timem:s7], [sflag:s23] =	dma.local [hbm:s5], s21  }
0x16: {  	_ =	swait.ge [sflag:s23], s21  }
0x17: {  	s4 =	ssub.s32 $0x0, s21;
	[sflag:s23] =	ssyncset.done $0x0  }
0x18: {  	[sflag:s23] =	ssyncadd.s32 s4;
	_ =	sdelay $0x1  }
0x19: {  	s24 =	simm.s32 $0x1B8B  }
0x1a: {  	_ =	swait.ge [sflag:s24], $0x1  }
0x1b: {  	[sflag:s24] =	ssyncset.done $0x0  }
0x1c: {  	s26 =	simm.s32 $0x1B8E;
	s25 =	sld [smem:$0x3FFE];
	[sflag:s24] =	ssyncadd.s32 $0xFFFFFFFF  }
0x1d: {  	s27 =	simm.s32 $execute0_lowered;
	[smem:$0x3FD2] =	sst s26  }
0x1e: {  	s5 =	sshll.u32 s27, $0x1;
	_ =	strace $0x80000046;
	[dreg:$0x1] =	wrdreg $0xFFFFFFFF  }
0x1f: {  	s28 =	simm.s32 $_size_execute0_lowered;
	s3 =	sadd.s32 s3, s5;
	[dreg:$0x0] =	wrdreg $0x0  }
0x20: {  	s5 =	sshll.u32 s28, $0x1;
	[dreg:$0x2] =	wrdreg s3  }
0x21: {  	[dreg:$0x3] =	wrdreg s5  }
0x22: {  	[dreg:$0x4] =	wrdreg $0xC0  }
0x23: {  	_ =	task [dreg:s7], $0x5FFFF  }
0x24: {  	[dreg:$0x1] =	wrdreg $0xFFFFFFFF  }
0x25: {  	[dreg:$0x0] =	wrdreg $0x60  }
0x26: {  	[dreg:$0x2] =	wrdreg s25  }
0x27: {  	[dreg:$0x3] =	wrdreg s2  }
0x28: {  	[dreg:$0x4] =	wrdreg $0x9  }
0x29: {  	_ =	task.clear_ibuf [dreg:s7], $0x5FFFF;
	_ =	strace $0x90000046  }
0x2a: {  	s29 =	simm.s32 $0x9;
	_ =	strace $0x80000048  }
0x2b: {  	_ =	swait.ge [sflag:s29], $0x1  }
0x2c: {  	[sflag:s29] =	ssyncadd.s32 $0xFFFFFFFF  }
0x2d: {  	_ =	strace $0x90000048  }
0x2e: {  	_ =	sfence  }
0x2f: {  	s30 =	sld [smem:$0x0];
	_ =	sdelay $0x2  }
0x30: {  	s31 =	sshll.u32 s1, $0xD;
	s1 =	sshrl.u32 s1, $0x2  }
0x31: {  	s3 =	sand.u32 $0x4000, s31;
	s1 =	sadd.s32 s1, s30  }
0x32: {  	s0 =	sor.u32 s3, s0;
	s1 =	sshll.u32 s1, $0x11  }
0x33: {  	s0 =	sor.u32 s1, s0  }
0x34: {  	s0 =	sadd.s32 $0x8F2B, s0  }
0x35: {  	[sflag:s0] =	ssyncadd.remote.s32 $0x1  }
0x36: {  	_ =	sfence.sel $0xFFFF  }
0x37: {  	[dreg:$0x0] =	wrdreg $0xFFFFFFFF;
	(pc) =	sbr.abs _section_cstart, $3  }
0x38: {  	[dreg:$0x1] =	wrdreg $0xFFFFFFFF  }
0x39: {  	_ =	task.clear_ibuf [dreg:s7], $0x2FFFF;
	_ =	strace $0x9FFFFFFF  }
0x3a: {  	(tm) =	ssettm $0x7FFFFFFF  }
0x3b: {  	_ =	shalt  }
tec
execute0_lowered:
.L_overlay_start_1:
0x0: {  	(tag) =	ssettag $0x1  }
0x1: {  	s0 =	srdreg.scid  }
0x2: {  	s1 =	sshll.u32 s0, $0x4  }
0x3: {  	s0 =	stileid.u32;
	s1 =	sand.u32 $0x10, s1  }
0x4: {  	s1 =	sor.u32 s0, s1  }
0x5: {  	s6 =	rddreg [dreg:$0x0];
	s4 =	simm.s32 $0x1;
	s2 =	sshll.u32 s1, $0x7  }
0x6: {  	s7 =	simm.s32 $0x2;
	s12 =	simm.s32 $0x0;
	s1 =	ssub.s32 $0x4000, s2  }
0x7: {  	s8 =	simm.s32 $0x20000;
	s13 =	simm.s32 $0x0;
	s3 =	sand.u32 $0xF80, s1  }
0x8: {  	s9 =	simm.s32 $0x0;
	s5 =	sshrl.u32 s1, $0xC;
	p0 =	sne.s32 s3, $0x0  }
.Ltmp0:
0x9: {  	s1 =	rddreg [dreg:$0x2];
	s4 =	simm.s32 @!p0 $0x0;
	(pc) =	sbr.rel .LBB1_1-.Ltmp0, $4  }
0xa: {  	s11 =	simm.s32 $0x0;
	s3 =	rddreg [dreg:$0x1];
	s5 =	sadd.s32 s4, s5  }
0xb: {  	_ =	strace $0x80000047;
	s4 =	simm.s32 $0x1;
	s5 =	smul.u32 $0xC8, s5  }
0xc: {  	s6 =	sadd.s32 $0x800, s6;
	s10 =	smov.u32 s2;
	[sflag:s4] =	ssyncpa.u1 $0x0  }
0xd: {  	p0 =	por $0x0, $0x0;
	[sflag:s7] =	ssyncpa.u1 $0x0;
	s7 =	sor.u32 $0x1, s5  }
.LBB1_4:
0xe: {  	s16 =	sshll.u32 s13, $0x3;
	s17 =	sand.u32 $0x78, s13  }
0xf: {  	s30 =	sand.u32 $0xF800, s13;
	s12 =	sshll.u32 s12, $0x10;
	s16 =	sand.u32 $0x3C00, s16  }
0x10: {  	s31 =	sand.u32 $0x7, s13;
	s16 =	sor.u32 s17, s16;
	s17 =	sadd.s32 s3, s30  }
0x11: {  	s13 =	sshll.u32 s31, $0x12;
	s16 =	sshrl.u32 s16, $0x3;
	s12 =	sadd.s32 s12, s17  }
0x12: {  	[tilespmem:s15+$0x0 ss:$0x81] =	vst.msk $0xffff, v0;
	s13 =	sor.u32 $0x400, s13;
	s12 =	sadd.s32 s16, s12  }
0x13: {  	[hbm4b:s12+s13] =	stream.strided.scatter [tilespmem:s14], [sflag:$0x2], $0x1000, s8, s13, $0x20;
	[tilespmem:$0x4040] =	vst v63  }
.LBB1_5:
0x14: {  	s14 =	sadd.s32 $0x1, s9  }
0x15: {  	s12 =	sadd.s32 $0x1000, s10;
	s16 =	smov.u32 s10;
	p2 =	sgt.s32 s14, $0xC7  }
0x16: {  	s16 =	smov.u32 @p2 s12  }
0x17: {  	s14 =	simm.s32 @p2 $0x0;
	p2 =	sgt.s32 s16, $0x3FFF  }
0x18: {  	s16 =	smov.u32 @p2 s2;
	p2 =	sne.s32 s11, s7  }
.Ltmp1:
0x19: {  	p1 =	slt.u32 s11, $0x2;
	(pc) =	sbr.rel @!p2 .LBB1_6-.Ltmp1, $4  }
0x1a: {  	s15 =	simm.s32 @!p1 $0x2  }
0x1b: {  	s13 =	smov.u32 s10;
	p0 =	por !p0, !p0;
	_ =	swait.ge @!p1 [sflag:s15], $0x1000  }
0x1c: {  	s12 =	smov.u32 s9;
	[sflag:s15] =	ssyncset.done @!p1 $0x0;
	s9 =	smov.u32 s14  }
0x1d: {  	s11 =	sadd.s32 $0x1, s11;
	[sflag:s15] =	ssyncadd.s32 @!p1 $0xFFFFF000;
	s10 =	smov.u32 s16  }
.LBB1_1:
0x1e: {  	p1 =	sge.u32 s11, s5  }
0x1f: {  	s14 =	sand.u32 @!p1 $0x1FFFFFF, s9  }
0x20: {  	s15 =	smulhi.u32 @!p1 $0x147AE15, s14;
	_ =	sdelay $0x1  }
0x21: {  	s15 =	smul.u32 @!p1 $0xC8, s15  }
0x22: {  	s16 =	sxor.u32 @!p1 $0xFFFFFFFF, s11;
	s17 =	smul.u32 @!p1 $0xC80, s10  }
0x23: {  	s31 =	sadd.s32 $0xFFFFFFFF, s11;
	s16 =	sshll.u32 @!p1 s16, $0xC;
	s14 =	ssub.s32 @!p1 s14, s15  }
0x24: {  	s15 =	sand.u32 @!p1 $0x1000, s16;
	s16 =	sadd.s32 @!p1 s6, s17;
	s14 =	sshll.u32 @!p1 s14, $0x4  }
0x25: {  	s17 =	simm.s32 @!p1 $0x6400;
	s14 =	sadd.s32 @!p1 s14, s16;
	s16 =	simm.s32 @!p1 $0x20  }
0x26: {  	[tilespmem:s15], [sflag:$0x1] =	stream.strided.gather @!p1 [hbm4b:s14+s16], $0x1000, s17, s16, $0x38;
	[tilespmem:$0x4040] =	vst v63  }
0x27: {  	p1 =	sge.u32 s31, s5  }
.Ltmp2:
0x28: {  	_ = 	snop;
	(pc) =	sbr.rel @p1 .LBB1_5-.Ltmp2, $1  }
0x29: {  	_ =	sdelay $0x3  }
0x2a: {  	s14 =	simm.s32 $0x1  }
0x2b: {  	_ =	swait.ge [sflag:s4], $0x1000;
	s14 =	simm.s32 @!p0 $0x0  }
0x2c: {  	[sflag:s4] =	ssyncset.done $0x0;
	s15 =	sshll.u32 s14, $0xC  }
0x2d: {  	[sflag:s4] =	ssyncadd.s32 $0xFFFFF000;
	s18 =	sor.u32 $0x10, s15  }
0x2e: {  	s14 =	smul.u32 $0x4080, s14;
	v1 =	vld [tilespmem:s18+$0x0]  }
0x2f: {  	s30 =	sand.u32 $0x1, s11;
	v0 =	vld [tilespmem:s18+$0xFFFFFFF0]  }
0x30: {  	s15 =	smul.u32 $0x4080, s30;
	s14 =	sshrl.u32 s14, $0x2  }
0x31: {  	s16 =	sor.u32 $0x2000, s14  }
0x32: {  	s31 =	sshrl.u32 s15, $0x2;
	s15 =	sadd.s32 $0x0, s16  }
0x33: {  	s17 =	simm.s32 $0x4;
	s18 =	sadd.s32 $0x20, s18;
	s14 =	sor.u32 $0x2000, s31;
	[tilespmem:s15+$0x810 ss:$0x81] =	vst.msk $0xffff, v1  }
.LBB1_3:
0x34: {  	v1 =	vld [tilespmem:s18+$0x0];
	p1 =	sne.s32 s17, $0x1FC;
	[tilespmem:s15+$0x0 ss:$0x81] =	vst.msk $0xffff, v0;
	s15 =	smov.u32 s17;
	s17 =	sadd.s32 $0x4, s17  }
.Ltmp3:
0x35: {  	v0 =	vld [tilespmem:s18+$0xFFFFFFF0];
	(pc) =	sbr.rel @p1 .LBB1_3-.Ltmp3, $4  }
0x36: {  	_ = 	snop  }
0x37: {  	s15 =	sshra.s32 s15, $0x2  }
0x38: {  	s15 =	sadd.s32 s15, s16  }
0x39: {  	s18 =	sadd.s32 $0x20, s18;
	[tilespmem:s15+$0x810 ss:$0x81] =	vst.msk $0xffff, v1  }
.Ltmp4:
0x3a: {  	_ = 	snop;
	(pc) =	sbr.rel .LBB1_4-.Ltmp4, $1  }
0x3b: {  	_ =	sdelay $0x3  }
.LBB1_6:
0x3c: {  	_ =	sfence.sel $0x180000  }
0x3d: {  	s2 =	simm.s32 $0x1;
	[bflag:$0x0] =	sbarrier.arrive $0xFFFF  }
0x3e: {  	s31 =	simm.s32 $0x2;
	[sflag:s2] =	ssyncpa.u1 $0x1  }
0x3f: {  	[sflag:s31] =	ssyncpa.u1 $0x1  }
0x40: {  	p0 =	sne.s32 s0, $0x0;
	_ =	strace $0x90000047  }
0x41: {  	s0 =	sadd.s32 @!p0 $0x100000, s1;
	[bflag:$0x2] =	sbarrier.arrive $0xFFFF  }
0x42: {  	[sflag:s0] =	ssyncadd.tile.s32 @!p0 $0x1;
	_ =	shalt  }
.Lfunc_end1:
_tile_overlayer_lowered:
.L_overlay_start_2:
0x43: {  	(tag) =	ssettag $0x2  }
0x44: {  	s0 =	rddreg [dreg:$0x0];
	s2 =	stileid.u32  }
0x45: {  	s1 =	rddreg [dreg:$0x1];
	p0 =	sne.s32 s2, $0x0  }
0x46: {  	s3 =	rddreg [dreg:$0x2];
	[bflag:$0x3] =	sbarrier.arrive $0xFFFF;
	s2 =	simm.s32 @!p0 $0x1C01  }
0x47: {  	[timem:s3], [sflag:s2] =	dma.local @!p0 [hbm:s0], s1  }
0x48: {  	s0 =	simm.s32 @!p0 $0x1  }
0x49: {  	_ =	swait.ge @!p0 [sflag:s0], s1  }
0x4a: {  	s1 =	ssub.s32 @!p0 $0x0, s1;
	[sflag:s0] =	ssyncset.done @!p0 $0x0  }
0x4b: {  	[sflag:s0] =	ssyncadd.s32 @!p0 s1  }
0x4c: {  	[bflag:$0x3] =	sbarrier.arrive $0xFFFF  }
0x4d: {  	_ =	shalt  }

</sc_bundles>
